<compile_context>
chip_gen: v7x
topology: tpu7x:2x2x1
jax: 0.10.2.dev20260603
libtpu: 0.0.44.dev20260713+nightly
codegen_flags: <defaults>
</compile_context>

<pallas_src>
import functools

import jax
import jax.numpy as jnp
from jax import lax
from jax.experimental import pallas as pl
from jax.experimental.pallas import tpu as pltpu
from jax.experimental.pallas import tpu_sc as plsc

N, C, H, W = 4, 96, 192, 192
OH, OW = 2 * H, 2 * W
NC = N * C
NUM_CORES = 2
NUM_SUBCORES = 16
NW = NUM_CORES * NUM_SUBCORES

CH = 48
CHUNKS_PER_PLANE = H // CH
IN_CHUNK = CH * W
OUT_CHUNK = 4 * IN_CHUNK
TOTAL_CHUNKS = NC * CHUNKS_PER_PLANE
CHUNKS_PER_WORKER = TOTAL_CHUNKS // NW
LANES = 16

_mesh = plsc.VectorSubcoreMesh(
    core_axis_name="c", subcore_axis_name="s",
    num_cores=NUM_CORES, num_subcores=NUM_SUBCORES)


@functools.partial(
    pl.kernel,
    out_type=jax.ShapeDtypeStruct((NC * OH * OW,), jnp.float32),
    mesh=_mesh,
    scratch_types=[
        pltpu.VMEM((IN_CHUNK,), jnp.float32),
        pltpu.VMEM((IN_CHUNK,), jnp.float32),
        pltpu.VMEM((IN_CHUNK,), jnp.int32),
        pltpu.VMEM((IN_CHUNK,), jnp.int32),
        pltpu.VMEM((OUT_CHUNK,), jnp.float32),
        pltpu.VMEM((OUT_CHUNK,), jnp.float32),
        pltpu.SemaphoreType.DMA,
        pltpu.SemaphoreType.DMA,
        pltpu.SemaphoreType.DMA,
        pltpu.SemaphoreType.DMA,
        pltpu.SemaphoreType.DMA,
        pltpu.SemaphoreType.DMA,
    ],
    compiler_params=pltpu.CompilerParams(needs_layout_passes=False),
)
def _sc_unpool(x_hbm, idx_hbm, out_hbm,
               xv0, xv1, iv0, iv1, ov0, ov1,
               sx0, sx1, si0, si1, so0, so1):
    wid = lax.axis_index("s") * NUM_CORES + lax.axis_index("c")
    xv = (xv0, xv1)
    iv = (iv0, iv1)
    ov = (ov0, ov1)
    sx = (sx0, sx1)
    si = (si0, si1)
    so = (so0, so1)

    def in_slice(g):
        gchunk = wid * CHUNKS_PER_WORKER + g
        plane = gchunk // CHUNKS_PER_PLANE
        rc = gchunk % CHUNKS_PER_PLANE
        return plane * (H * W) + rc * IN_CHUNK, rc

    def start_in(g, b):
        off, _ = in_slice(g)
        pltpu.async_copy(x_hbm.at[pl.ds(off, IN_CHUNK)], xv[b], sx[b])
        pltpu.async_copy(idx_hbm.at[pl.ds(off, IN_CHUNK)], iv[b], si[b])

    start_in(0, 0)

    def pair_body(p, _):
        for b in range(2):
            g = p * 2 + b
            nb = (b + 1) % 2

            @pl.when(g + 1 < CHUNKS_PER_WORKER)
            def _():
                start_in(g + 1, nb)

            pltpu.make_async_copy(
                x_hbm.at[pl.ds(0, IN_CHUNK)], xv[b], sx[b]).wait()
            pltpu.make_async_copy(
                idx_hbm.at[pl.ds(0, IN_CHUNK)], iv[b], si[b]).wait()

            @pl.when(g >= 2)
            def _():
                pltpu.make_async_copy(
                    ov[b], out_hbm.at[pl.ds(0, OUT_CHUNK)], so[b]).wait()

            gchunk = wid * CHUNKS_PER_WORKER + g
            plane = gchunk // CHUNKS_PER_PLANE
            rc = gchunk % CHUNKS_PER_PLANE
            base = rc * OUT_CHUNK
            out_off = plane * (OH * OW) + rc * OUT_CHUNK

            zeros = jnp.zeros((LANES,), jnp.float32)
            ovb = ov[b]
            ivb = iv[b]
            xvb = xv[b]

            @plsc.parallel_loop(0, OUT_CHUNK // LANES, unroll=8)
            def zero_body(k):
                ovb[pl.ds(k * LANES, LANES)] = zeros

            @plsc.parallel_loop(0, IN_CHUNK // LANES, unroll=8)
            def scatter_body(k):
                sl = pl.ds(k * LANES, LANES)
                local = ivb[sl] - base
                plsc.store_scatter(ovb, [local], xvb[sl])

            pltpu.async_copy(ovb, out_hbm.at[pl.ds(out_off, OUT_CHUNK)],
                             so[b])
        return 0

    lax.fori_loop(0, CHUNKS_PER_WORKER // 2, pair_body, 0)

    for b in range(2):
        pltpu.make_async_copy(
            ov[b], out_hbm.at[pl.ds(0, OUT_CHUNK)], so[b]).wait()


def kernel(x, indices):
    xf = x.reshape(NC * H * W)
    idxf = indices.reshape(NC * H * W)
    out = _sc_unpool(xf, idxf)
    return out.reshape(N, C, OH, OW)

# --- scband reference (transcript-rebuilt; emitter-appended) ---
"""Pipeline reference for scband-spatial-max-unpooling-13142599926074 (READ-ONLY COPY).

The authoritative reference and input builder live on the scoring server;
editing this copy changes nothing except your own understanding.
"""

import jax, jax.numpy as jnp
import numpy as np

N, C, H, W = 4, 96, 192, 192
OH, OW = 2 * H, 2 * W


def setup_inputs(seed: int = 0) -> dict:
    key = jax.random.key(seed)
    k1, k2, k3 = jax.random.split(key, 3)
    x = jax.random.normal(k1, (N, C, H, W), dtype=jnp.float32)
    # Build pooling argmax indices exactly the way torch SpatialMaxPooling
    # (kernel==stride==2) would produce them: for pooled cell (i, j) the index
    # points somewhere inside the 2x2 window [2i:2i+2, 2j:2j+2] of the
    # unpooled (OH, OW) plane, flattened row-major.
    di = jax.random.randint(k2, (N, C, H, W), 0, 2)
    dj = jax.random.randint(k3, (N, C, H, W), 0, 2)
    rows = 2 * jnp.arange(H)[None, None, :, None] + di
    cols = 2 * jnp.arange(W)[None, None, None, :] + dj
    indices = (rows * OW + cols).astype(jnp.int32)
    return {"x": x, "indices": indices}


def reference(x, indices):
    # SpatialMaxUnpooling.updateOutput: scatter each pooled activation into a
    # zero-initialized (N, C, OH, OW) output at the position recorded by the
    # associated pooling module's argmax indices (flat per-(n,c) plane).
    n, c, h, w = x.shape
    oh, ow = 2 * h, 2 * w
    flat_idx = indices.reshape(n, c, h * w)
    flat_x = x.reshape(n, c, h * w)
    out = jnp.zeros((n, c, oh * ow), dtype=x.dtype)
    bi = jnp.arange(n)[:, None, None]
    ci = jnp.arange(c)[None, :, None]
    out = out.at[bi, ci, flat_idx].set(flat_x)
    return out.reshape(n, c, oh, ow)

if __name__ == "__main__":
    import jax
    _d = setup_inputs()
    print(jax.jit(kernel)(*tuple(_d.values())))

</pallas_src>

<mosaic_0001>
#map = affine_map<(d0, d1) -> (0)>
module attributes {stable_mosaic.version = 14 : i64} {
  func.func @_sc_unpool(%arg0: i32, %arg1: i32, %arg2: memref<14155776xf32, #tpu.memory_space<hbm>>, %arg3: memref<14155776xi32, #tpu.memory_space<hbm>>, %arg4: memref<56623104xf32, #tpu.memory_space<hbm>>, %arg5: memref<9216xf32, #tpu.memory_space<vmem>>, %arg6: memref<9216xf32, #tpu.memory_space<vmem>>, %arg7: memref<9216xi32, #tpu.memory_space<vmem>>, %arg8: memref<9216xi32, #tpu.memory_space<vmem>>, %arg9: memref<36864xf32, #tpu.memory_space<vmem>>, %arg10: memref<36864xf32, #tpu.memory_space<vmem>>, %arg11: memref<!tpu.dma_semaphore, #tpu.memory_space<semaphore_mem>>, %arg12: memref<!tpu.dma_semaphore, #tpu.memory_space<semaphore_mem>>, %arg13: memref<!tpu.dma_semaphore, #tpu.memory_space<semaphore_mem>>, %arg14: memref<!tpu.dma_semaphore, #tpu.memory_space<semaphore_mem>>, %arg15: memref<!tpu.dma_semaphore, #tpu.memory_space<semaphore_mem>>, %arg16: memref<!tpu.dma_semaphore, #tpu.memory_space<semaphore_mem>>) attributes {dimension_semantics = [#tpu.dimension_semantics<core_parallel>, #tpu.dimension_semantics<subcore_parallel>], iteration_bounds = array<i64: 2, 16>, scalar_prefetch = 0 : i64, scratch_operands = 12 : i64, tpu.core_type = #tpu.core_type<sc_vector_subcore>, window_params = [{transform_indices = #map}, {transform_indices = #map}, {transform_indices = #map}]} {
    %mul3A = arith.constant 2 : i32
    %mul3A_0 = arith.muli %arg1, %mul3A : i32
    %add3A = arith.addi %mul3A_0, %arg0 : i32
    %mul3A_1 = arith.constant 48 : i32
    %mul3A_2 = arith.muli %add3A, %mul3A_1 : i32
    %add3A_3 = arith.constant 0 : i32
    %add3A_4 = arith.addi %mul3A_2, %add3A_3 : i32
    %jit3A = arith.constant 4 : i32
    %div3A = arith.divsi %add3A_4, %jit3A : i32
    %sign3A = arith.constant 0 : i32
    %sign3A_5 = arith.cmpi sgt, %add3A_4, %sign3A : i32
    %sign3A_6 = arith.extui %sign3A_5 : i1 to i32
    %sign3A_7 = arith.constant 0 : i32
    %sign3A_8 = arith.cmpi slt, %add3A_4, %sign3A_7 : i32
    %sign3A_9 = arith.extui %sign3A_8 : i1 to i32
    %sign3A_10 = arith.subi %sign3A_6, %sign3A_9 : i32
    %sign3A_11 = arith.constant 0 : i32
    %sign3A_12 = arith.cmpi sgt, %jit3A, %sign3A_11 : i32
    %sign3A_13 = arith.extui %sign3A_12 : i1 to i32
    %sign3A_14 = arith.constant 0 : i32
    %sign3A_15 = arith.cmpi slt, %jit3A, %sign3A_14 : i32
    %sign3A_16 = arith.extui %sign3A_15 : i1 to i32
    %sign3A_17 = arith.subi %sign3A_13, %sign3A_16 : i32
    %ne3A = arith.cmpi ne, %sign3A_10, %sign3A_17 : i32
    %rem3A = arith.remsi %add3A_4, %jit3A : i32
    %ne3A_18 = arith.constant 0 : i32
    %ne3A_19 = arith.cmpi ne, %rem3A, %ne3A_18 : i32
    %and3A = arith.andi %ne3A, %ne3A_19 : i1
    %sub3A = arith.constant 1 : i32
    %sub3A_20 = arith.subi %div3A, %sub3A : i32
    %select_n3A = arith.select %and3A, %sub3A_20, %div3A : i32
    %jit3A_21 = arith.constant 4 : i32
    %eq3A = arith.constant 0 : i32
    %eq3A_22 = arith.cmpi eq, %jit3A_21, %eq3A : i32
    %jit3A_23 = arith.constant 1 : i32
    %select_n3A_24 = arith.select %eq3A_22, %jit3A_23, %jit3A_21 : i32
    %rem3A_25 = arith.remsi %add3A_4, %select_n3A_24 : i32
    %ne3A_26 = arith.constant 0 : i32
    %ne3A_27 = arith.cmpi ne, %rem3A_25, %ne3A_26 : i32
    %lt3A = arith.constant 0 : i32
    %lt3A_28 = arith.cmpi slt, %rem3A_25, %lt3A : i32
    %lt3A_29 = arith.constant 0 : i32
    %lt3A_30 = arith.cmpi slt, %select_n3A_24, %lt3A_29 : i32
    %ne3A_31 = arith.xori %lt3A_28, %lt3A_30 : i1
    %and3A_32 = arith.andi %ne3A_31, %ne3A_27 : i1
    %add3A_33 = arith.addi %rem3A_25, %select_n3A_24 : i32
    %select_n3A_34 = arith.select %and3A_32, %add3A_33, %rem3A_25 : i32
    %mul3A_35 = arith.constant 36864 : i32
    %mul3A_36 = arith.muli %select_n3A, %mul3A_35 : i32
    %mul3A_37 = arith.constant 9216 : i32
    %mul3A_38 = arith.muli %select_n3A_34, %mul3A_37 : i32
    %add3A_39 = arith.addi %mul3A_36, %mul3A_38 : i32
    %dma_start3A = tpu.memref_slice %arg2[%add3A_39] : memref<14155776xf32, #tpu.memory_space<hbm>> -> memref<9216xf32, #tpu.memory_space<hbm>>
    %dma_start3A_40 = tpu.memref_slice %arg2[%add3A_39] : memref<14155776xf32, #tpu.memory_space<hbm>> -> memref<9216xf32, #tpu.memory_space<hbm>>
    tpu.enqueue_dma source(%dma_start3A_40 : memref<9216xf32, #tpu.memory_space<hbm>>) target(%arg5 : memref<9216xf32, #tpu.memory_space<vmem>>) target_semaphore(%arg11 : memref<!tpu.dma_semaphore, #tpu.memory_space<semaphore_mem>>)
    %dma_start3A_41 = tpu.memref_slice %arg3[%add3A_39] : memref<14155776xi32, #tpu.memory_space<hbm>> -> memref<9216xi32, #tpu.memory_space<hbm>>
    %dma_start3A_42 = tpu.memref_slice %arg3[%add3A_39] : memref<14155776xi32, #tpu.memory_space<hbm>> -> memref<9216xi32, #tpu.memory_space<hbm>>
    tpu.enqueue_dma source(%dma_start3A_42 : memref<9216xi32, #tpu.memory_space<hbm>>) target(%arg7 : memref<9216xi32, #tpu.memory_space<vmem>>) target_semaphore(%arg13 : memref<!tpu.dma_semaphore, #tpu.memory_space<semaphore_mem>>)
    %scan3A = arith.constant 0 : i32
    %scan3A_43 = arith.constant 0 : i32
    %scan3A_44 = arith.constant 24 : i32
    %scan3A_45 = arith.addi %scan3A_43, %scan3A_44 : i32
    %scan3A_46 = arith.constant 1 : i32
    %scan3A_47 = scf.for %scan3A_56 = %scan3A_43 to %scan3A_45 step %scan3A_46 iter_args(%scan3A_57 = %scan3A) -> (i32)  : i32 {
      %mul3A_58 = arith.constant 2 : i32
      %mul3A_59 = arith.muli %scan3A_56, %mul3A_58 : i32
      %add3A_60 = arith.constant 0 : i32
      %add3A_61 = arith.addi %mul3A_59, %add3A_60 : i32
      %add3A_62 = arith.constant 1 : i32
      %add3A_63 = arith.addi %add3A_61, %add3A_62 : i32
      %lt3A_64 = arith.constant 48 : i32
      %lt3A_65 = arith.cmpi slt, %add3A_63, %lt3A_64 : i32
      %convert_element_type3A = arith.extui %lt3A_65 : i1 to i32
      %cond3A = arith.constant 0 : i32
      %cond3A_66 = arith.cmpi ne, %convert_element_type3A, %cond3A : i32
      scf.if %cond3A_66 {
        %add3A_222 = arith.constant 1 : i32
        %add3A_223 = arith.addi %add3A_61, %add3A_222 : i32
        %mul3A_224 = arith.constant 48 : i32
        %mul3A_225 = arith.muli %add3A, %mul3A_224 : i32
        %add3A_226 = arith.addi %mul3A_225, %add3A_223 : i32
        %jit3A_227 = arith.constant 4 : i32
        %div3A_228 = arith.divsi %add3A_226, %jit3A_227 : i32
        %sign3A_229 = arith.constant 0 : i32
        %sign3A_230 = arith.cmpi sgt, %add3A_226, %sign3A_229 : i32
        %sign3A_231 = arith.extui %sign3A_230 : i1 to i32
        %sign3A_232 = arith.constant 0 : i32
        %sign3A_233 = arith.cmpi slt, %add3A_226, %sign3A_232 : i32
        %sign3A_234 = arith.extui %sign3A_233 : i1 to i32
        %sign3A_235 = arith.subi %sign3A_231, %sign3A_234 : i32
        %sign3A_236 = arith.constant 0 : i32
        %sign3A_237 = arith.cmpi sgt, %jit3A_227, %sign3A_236 : i32
        %sign3A_238 = arith.extui %sign3A_237 : i1 to i32
        %sign3A_239 = arith.constant 0 : i32
        %sign3A_240 = arith.cmpi slt, %jit3A_227, %sign3A_239 : i32
        %sign3A_241 = arith.extui %sign3A_240 : i1 to i32
        %sign3A_242 = arith.subi %sign3A_238, %sign3A_241 : i32
        %ne3A_243 = arith.cmpi ne, %sign3A_235, %sign3A_242 : i32
        %rem3A_244 = arith.remsi %add3A_226, %jit3A_227 : i32
        %ne3A_245 = arith.constant 0 : i32
        %ne3A_246 = arith.cmpi ne, %rem3A_244, %ne3A_245 : i32
        %and3A_247 = arith.andi %ne3A_243, %ne3A_246 : i1
        %sub3A_248 = arith.constant 1 : i32
        %sub3A_249 = arith.subi %div3A_228, %sub3A_248 : i32
        %select_n3A_250 = arith.select %and3A_247, %sub3A_249, %div3A_228 : i32
        %jit3A_251 = arith.constant 4 : i32
        %eq3A_252 = arith.constant 0 : i32
        %eq3A_253 = arith.cmpi eq, %jit3A_251, %eq3A_252 : i32
        %jit3A_254 = arith.constant 1 : i32
        %select_n3A_255 = arith.select %eq3A_253, %jit3A_254, %jit3A_251 : i32
        %rem3A_256 = arith.remsi %add3A_226, %select_n3A_255 : i32
        %ne3A_257 = arith.constant 0 : i32
        %ne3A_258 = arith.cmpi ne, %rem3A_256, %ne3A_257 : i32
        %lt3A_259 = arith.constant 0 : i32
        %lt3A_260 = arith.cmpi slt, %rem3A_256, %lt3A_259 : i32
        %lt3A_261 = arith.constant 0 : i32
        %lt3A_262 = arith.cmpi slt, %select_n3A_255, %lt3A_261 : i32
        %ne3A_263 = arith.xori %lt3A_260, %lt3A_262 : i1
        %and3A_264 = arith.andi %ne3A_263, %ne3A_258 : i1
        %add3A_265 = arith.addi %rem3A_256, %select_n3A_255 : i32
        %select_n3A_266 = arith.select %and3A_264, %add3A_265, %rem3A_256 : i32
        %mul3A_267 = arith.constant 36864 : i32
        %mul3A_268 = arith.muli %select_n3A_250, %mul3A_267 : i32
        %mul3A_269 = arith.constant 9216 : i32
        %mul3A_270 = arith.muli %select_n3A_266, %mul3A_269 : i32
        %add3A_271 = arith.addi %mul3A_268, %mul3A_270 : i32
        %dma_start3A_272 = tpu.memref_slice %arg2[%add3A_271] : memref<14155776xf32, #tpu.memory_space<hbm>> -> memref<9216xf32, #tpu.memory_space<hbm>>
        %dma_start3A_273 = tpu.memref_slice %arg2[%add3A_271] : memref<14155776xf32, #tpu.memory_space<hbm>> -> memref<9216xf32, #tpu.memory_space<hbm>>
        tpu.enqueue_dma source(%dma_start3A_273 : memref<9216xf32, #tpu.memory_space<hbm>>) target(%arg6 : memref<9216xf32, #tpu.memory_space<vmem>>) target_semaphore(%arg12 : memref<!tpu.dma_semaphore, #tpu.memory_space<semaphore_mem>>)
        %dma_start3A_274 = tpu.memref_slice %arg3[%add3A_271] : memref<14155776xi32, #tpu.memory_space<hbm>> -> memref<9216xi32, #tpu.memory_space<hbm>>
        %dma_start3A_275 = tpu.memref_slice %arg3[%add3A_271] : memref<14155776xi32, #tpu.memory_space<hbm>> -> memref<9216xi32, #tpu.memory_space<hbm>>
        tpu.enqueue_dma source(%dma_start3A_275 : memref<9216xi32, #tpu.memory_space<hbm>>) target(%arg8 : memref<9216xi32, #tpu.memory_space<vmem>>) target_semaphore(%arg14 : memref<!tpu.dma_semaphore, #tpu.memory_space<semaphore_mem>>)
      } else {
      }
      %dma_wait3A_67 = arith.constant 0 : i32
      %dma_wait3A_68 = tpu.memref_slice %arg2[%dma_wait3A_67] : memref<14155776xf32, #tpu.memory_space<hbm>> -> memref<9216xf32, #tpu.memory_space<hbm>>
      %dma_wait3A_69 = arith.constant 0 : i32
      %dma_wait3A_70 = tpu.memref_slice %arg2[%dma_wait3A_69] : memref<14155776xf32, #tpu.memory_space<hbm>> -> memref<9216xf32, #tpu.memory_space<hbm>>
      tpu.wait_dma2 semaphore(%arg11 : memref<!tpu.dma_semaphore, #tpu.memory_space<semaphore_mem>>) src(%dma_wait3A_70 : memref<9216xf32, #tpu.memory_space<hbm>>) dst(%arg5 : memref<9216xf32, #tpu.memory_space<vmem>>)
      %dma_wait3A_71 = arith.constant 0 : i32
      %dma_wait3A_72 = tpu.memref_slice %arg3[%dma_wait3A_71] : memref<14155776xi32, #tpu.memory_space<hbm>> -> memref<9216xi32, #tpu.memory_space<hbm>>
      %dma_wait3A_73 = arith.constant 0 : i32
      %dma_wait3A_74 = tpu.memref_slice %arg3[%dma_wait3A_73] : memref<14155776xi32, #tpu.memory_space<hbm>> -> memref<9216xi32, #tpu.memory_space<hbm>>
      tpu.wait_dma2 semaphore(%arg13 : memref<!tpu.dma_semaphore, #tpu.memory_space<semaphore_mem>>) src(%dma_wait3A_74 : memref<9216xi32, #tpu.memory_space<hbm>>) dst(%arg7 : memref<9216xi32, #tpu.memory_space<vmem>>)
      %ge3A = arith.constant 2 : i32
      %ge3A_75 = arith.cmpi sge, %add3A_61, %ge3A : i32
      %convert_element_type3A_76 = arith.extui %ge3A_75 : i1 to i32
      %cond3A_77 = arith.constant 0 : i32
      %cond3A_78 = arith.cmpi ne, %convert_element_type3A_76, %cond3A_77 : i32
      scf.if %cond3A_78 {
        %dma_wait3A_222 = arith.constant 0 : i32
        %dma_wait3A_223 = tpu.memref_slice %arg4[%dma_wait3A_222] : memref<56623104xf32, #tpu.memory_space<hbm>> -> memref<36864xf32, #tpu.memory_space<hbm>>
        %dma_wait3A_224 = arith.constant 0 : i32
        %dma_wait3A_225 = tpu.memref_slice %arg4[%dma_wait3A_224] : memref<56623104xf32, #tpu.memory_space<hbm>> -> memref<36864xf32, #tpu.memory_space<hbm>>
        tpu.wait_dma2 semaphore(%arg15 : memref<!tpu.dma_semaphore, #tpu.memory_space<semaphore_mem>>) src(%arg9 : memref<36864xf32, #tpu.memory_space<vmem>>) dst(%dma_wait3A_225 : memref<36864xf32, #tpu.memory_space<hbm>>)
      } else {
      }
      %mul3A_79 = arith.constant 48 : i32
      %mul3A_80 = arith.muli %add3A, %mul3A_79 : i32
      %add3A_81 = arith.addi %mul3A_80, %add3A_61 : i32
      %jit3A_82 = arith.constant 4 : i32
      %div3A_83 = arith.divsi %add3A_81, %jit3A_82 : i32
      %sign3A_84 = arith.constant 0 : i32
      %sign3A_85 = arith.cmpi sgt, %add3A_81, %sign3A_84 : i32
      %sign3A_86 = arith.extui %sign3A_85 : i1 to i32
      %sign3A_87 = arith.constant 0 : i32
      %sign3A_88 = arith.cmpi slt, %add3A_81, %sign3A_87 : i32
      %sign3A_89 = arith.extui %sign3A_88 : i1 to i32
      %sign3A_90 = arith.subi %sign3A_86, %sign3A_89 : i32
      %sign3A_91 = arith.constant 0 : i32
      %sign3A_92 = arith.cmpi sgt, %jit3A_82, %sign3A_91 : i32
      %sign3A_93 = arith.extui %sign3A_92 : i1 to i32
      %sign3A_94 = arith.constant 0 : i32
      %sign3A_95 = arith.cmpi slt, %jit3A_82, %sign3A_94 : i32
      %sign3A_96 = arith.extui %sign3A_95 : i1 to i32
      %sign3A_97 = arith.subi %sign3A_93, %sign3A_96 : i32
      %ne3A_98 = arith.cmpi ne, %sign3A_90, %sign3A_97 : i32
      %rem3A_99 = arith.remsi %add3A_81, %jit3A_82 : i32
      %ne3A_100 = arith.constant 0 : i32
      %ne3A_101 = arith.cmpi ne, %rem3A_99, %ne3A_100 : i32
      %and3A_102 = arith.andi %ne3A_98, %ne3A_101 : i1
      %sub3A_103 = arith.constant 1 : i32
      %sub3A_104 = arith.subi %div3A_83, %sub3A_103 : i32
      %select_n3A_105 = arith.select %and3A_102, %sub3A_104, %div3A_83 : i32
      %jit3A_106 = arith.constant 4 : i32
      %eq3A_107 = arith.constant 0 : i32
      %eq3A_108 = arith.cmpi eq, %jit3A_106, %eq3A_107 : i32
      %jit3A_109 = arith.constant 1 : i32
      %select_n3A_110 = arith.select %eq3A_108, %jit3A_109, %jit3A_106 : i32
      %rem3A_111 = arith.remsi %add3A_81, %select_n3A_110 : i32
      %ne3A_112 = arith.constant 0 : i32
      %ne3A_113 = arith.cmpi ne, %rem3A_111, %ne3A_112 : i32
      %lt3A_114 = arith.constant 0 : i32
      %lt3A_115 = arith.cmpi slt, %rem3A_111, %lt3A_114 : i32
      %lt3A_116 = arith.constant 0 : i32
      %lt3A_117 = arith.cmpi slt, %select_n3A_110, %lt3A_116 : i32
      %ne3A_118 = arith.xori %lt3A_115, %lt3A_117 : i1
      %and3A_119 = arith.andi %ne3A_118, %ne3A_113 : i1
      %add3A_120 = arith.addi %rem3A_111, %select_n3A_110 : i32
      %select_n3A_121 = arith.select %and3A_119, %add3A_120, %rem3A_111 : i32
      %mul3A_122 = arith.constant 36864 : i32
      %mul3A_123 = arith.muli %select_n3A_121, %mul3A_122 : i32
      %mul3A_124 = arith.constant 147456 : i32
      %mul3A_125 = arith.muli %select_n3A_105, %mul3A_124 : i32
      %mul3A_126 = arith.constant 36864 : i32
      %mul3A_127 = arith.muli %select_n3A_121, %mul3A_126 : i32
      %add3A_128 = arith.addi %mul3A_125, %mul3A_127 : i32
      %broadcast_in_dim3A = arith.constant 0.000000e+00 : f32
      %broadcast_in_dim3A_129 = vector.broadcast %broadcast_in_dim3A : f32 to vector<16xf32>
      %parallel_loop3A = arith.constant 0 : i32
      %parallel_loop3A_130 = arith.constant 2304 : i32
      %parallel_loop3A_131 = arith.constant 1 : i32
      scf.for %parallel_loop3A_222 = %parallel_loop3A to %parallel_loop3A_130 step %parallel_loop3A_131  : i32 {
        %parallel_loop3A_223 = arith.constant 16 : i32
        %parallel_loop3A_224 = arith.muli %parallel_loop3A_222, %parallel_loop3A_223 : i32
        %parallel_loop3A_225 = arith.index_cast %parallel_loop3A_224 : i32 to index
        %parallel_loop3A_226 = tpu.vector_load %arg9[%parallel_loop3A_225] {strides = array<i32>} : memref<36864xf32, #tpu.memory_space<vmem>>, vector<16xf32>,
        tpu.vector_store %arg9[%parallel_loop3A_225], %broadcast_in_dim3A_129 {strides = array<i32>} : memref<36864xf32, #tpu.memory_space<vmem>>, vector<16xf32>,
      } {sc.loop_unroll_factor = 8 : i64, sc.parallel_access}
      %parallel_loop3A_132 = arith.constant 0 : i32
      %parallel_loop3A_133 = arith.constant 576 : i32
      %parallel_loop3A_134 = arith.constant 1 : i32
      scf.for %parallel_loop3A_222 = %parallel_loop3A_132 to %parallel_loop3A_133 step %parallel_loop3A_134  : i32 {
        %parallel_loop3A_223 = arith.constant 16 : i32
        %parallel_loop3A_224 = arith.muli %parallel_loop3A_222, %parallel_loop3A_223 : i32
        %parallel_loop3A_225 = arith.index_cast %parallel_loop3A_224 : i32 to index
        %parallel_loop3A_226 = tpu.vector_load %arg7[%parallel_loop3A_225] {strides = array<i32>} : memref<9216xi32, #tpu.memory_space<vmem>>, vector<16xi32>,
        %parallel_loop3A_227 = vector.broadcast %mul3A_123 : i32 to vector<16xi32>
        %parallel_loop3A_228 = arith.subi %parallel_loop3A_226, %parallel_loop3A_227 : vector<16xi32>
        %parallel_loop3A_229 = arith.index_cast %parallel_loop3A_224 : i32 to index
        %parallel_loop3A_230 = tpu.vector_load %arg5[%parallel_loop3A_229] {strides = array<i32>} : memref<9216xf32, #tpu.memory_space<vmem>>, vector<16xf32>,
        tpu.vector_store_idx %arg9[%parallel_loop3A_228], %parallel_loop3A_230 : memref<36864xf32, #tpu.memory_space<vmem>>[vector<16xi32>], vector<16xf32>,
      } {sc.loop_unroll_factor = 8 : i64, sc.parallel_access}
      %dma_start3A_135 = tpu.memref_slice %arg4[%add3A_128] : memref<56623104xf32, #tpu.memory_space<hbm>> -> memref<36864xf32, #tpu.memory_space<hbm>>
      %dma_start3A_136 = tpu.memref_slice %arg4[%add3A_128] : memref<56623104xf32, #tpu.memory_space<hbm>> -> memref<36864xf32, #tpu.memory_space<hbm>>
      tpu.enqueue_dma source(%arg9 : memref<36864xf32, #tpu.memory_space<vmem>>) target(%dma_start3A_136 : memref<36864xf32, #tpu.memory_space<hbm>>) target_semaphore(%arg15 : memref<!tpu.dma_semaphore, #tpu.memory_space<semaphore_mem>>)
      %mul3A_137 = arith.constant 2 : i32
      %mul3A_138 = arith.muli %scan3A_56, %mul3A_137 : i32
      %add3A_139 = arith.constant 1 : i32
      %add3A_140 = arith.addi %mul3A_138, %add3A_139 : i32
      %add3A_141 = arith.constant 1 : i32
      %add3A_142 = arith.addi %add3A_140, %add3A_141 : i32
      %lt3A_143 = arith.constant 48 : i32
      %lt3A_144 = arith.cmpi slt, %add3A_142, %lt3A_143 : i32
      %convert_element_type3A_145 = arith.extui %lt3A_144 : i1 to i32
      %cond3A_146 = arith.constant 0 : i32
      %cond3A_147 = arith.cmpi ne, %convert_element_type3A_145, %cond3A_146 : i32
      scf.if %cond3A_147 {
        %add3A_222 = arith.constant 1 : i32
        %add3A_223 = arith.addi %add3A_140, %add3A_222 : i32
        %mul3A_224 = arith.constant 48 : i32
        %mul3A_225 = arith.muli %add3A, %mul3A_224 : i32
        %add3A_226 = arith.addi %mul3A_225, %add3A_223 : i32
        %jit3A_227 = arith.constant 4 : i32
        %div3A_228 = arith.divsi %add3A_226, %jit3A_227 : i32
        %sign3A_229 = arith.constant 0 : i32
        %sign3A_230 = arith.cmpi sgt, %add3A_226, %sign3A_229 : i32
        %sign3A_231 = arith.extui %sign3A_230 : i1 to i32
        %sign3A_232 = arith.constant 0 : i32
        %sign3A_233 = arith.cmpi slt, %add3A_226, %sign3A_232 : i32
        %sign3A_234 = arith.extui %sign3A_233 : i1 to i32
        %sign3A_235 = arith.subi %sign3A_231, %sign3A_234 : i32
        %sign3A_236 = arith.constant 0 : i32
        %sign3A_237 = arith.cmpi sgt, %jit3A_227, %sign3A_236 : i32
        %sign3A_238 = arith.extui %sign3A_237 : i1 to i32
        %sign3A_239 = arith.constant 0 : i32
        %sign3A_240 = arith.cmpi slt, %jit3A_227, %sign3A_239 : i32
        %sign3A_241 = arith.extui %sign3A_240 : i1 to i32
        %sign3A_242 = arith.subi %sign3A_238, %sign3A_241 : i32
        %ne3A_243 = arith.cmpi ne, %sign3A_235, %sign3A_242 : i32
        %rem3A_244 = arith.remsi %add3A_226, %jit3A_227 : i32
        %ne3A_245 = arith.constant 0 : i32
        %ne3A_246 = arith.cmpi ne, %rem3A_244, %ne3A_245 : i32
        %and3A_247 = arith.andi %ne3A_243, %ne3A_246 : i1
        %sub3A_248 = arith.constant 1 : i32
        %sub3A_249 = arith.subi %div3A_228, %sub3A_248 : i32
        %select_n3A_250 = arith.select %and3A_247, %sub3A_249, %div3A_228 : i32
        %jit3A_251 = arith.constant 4 : i32
        %eq3A_252 = arith.constant 0 : i32
        %eq3A_253 = arith.cmpi eq, %jit3A_251, %eq3A_252 : i32
        %jit3A_254 = arith.constant 1 : i32
        %select_n3A_255 = arith.select %eq3A_253, %jit3A_254, %jit3A_251 : i32
        %rem3A_256 = arith.remsi %add3A_226, %select_n3A_255 : i32
        %ne3A_257 = arith.constant 0 : i32
        %ne3A_258 = arith.cmpi ne, %rem3A_256, %ne3A_257 : i32
        %lt3A_259 = arith.constant 0 : i32
        %lt3A_260 = arith.cmpi slt, %rem3A_256, %lt3A_259 : i32
        %lt3A_261 = arith.constant 0 : i32
        %lt3A_262 = arith.cmpi slt, %select_n3A_255, %lt3A_261 : i32
        %ne3A_263 = arith.xori %lt3A_260, %lt3A_262 : i1
        %and3A_264 = arith.andi %ne3A_263, %ne3A_258 : i1
        %add3A_265 = arith.addi %rem3A_256, %select_n3A_255 : i32
        %select_n3A_266 = arith.select %and3A_264, %add3A_265, %rem3A_256 : i32
        %mul3A_267 = arith.constant 36864 : i32
        %mul3A_268 = arith.muli %select_n3A_250, %mul3A_267 : i32
        %mul3A_269 = arith.constant 9216 : i32
        %mul3A_270 = arith.muli %select_n3A_266, %mul3A_269 : i32
        %add3A_271 = arith.addi %mul3A_268, %mul3A_270 : i32
        %dma_start3A_272 = tpu.memref_slice %arg2[%add3A_271] : memref<14155776xf32, #tpu.memory_space<hbm>> -> memref<9216xf32, #tpu.memory_space<hbm>>
        %dma_start3A_273 = tpu.memref_slice %arg2[%add3A_271] : memref<14155776xf32, #tpu.memory_space<hbm>> -> memref<9216xf32, #tpu.memory_space<hbm>>
        tpu.enqueue_dma source(%dma_start3A_273 : memref<9216xf32, #tpu.memory_space<hbm>>) target(%arg5 : memref<9216xf32, #tpu.memory_space<vmem>>) target_semaphore(%arg11 : memref<!tpu.dma_semaphore, #tpu.memory_space<semaphore_mem>>)
        %dma_start3A_274 = tpu.memref_slice %arg3[%add3A_271] : memref<14155776xi32, #tpu.memory_space<hbm>> -> memref<9216xi32, #tpu.memory_space<hbm>>
        %dma_start3A_275 = tpu.memref_slice %arg3[%add3A_271] : memref<14155776xi32, #tpu.memory_space<hbm>> -> memref<9216xi32, #tpu.memory_space<hbm>>
        tpu.enqueue_dma source(%dma_start3A_275 : memref<9216xi32, #tpu.memory_space<hbm>>) target(%arg7 : memref<9216xi32, #tpu.memory_space<vmem>>) target_semaphore(%arg13 : memref<!tpu.dma_semaphore, #tpu.memory_space<semaphore_mem>>)
      } else {
      }
      %dma_wait3A_148 = arith.constant 0 : i32
      %dma_wait3A_149 = tpu.memref_slice %arg2[%dma_wait3A_148] : memref<14155776xf32, #tpu.memory_space<hbm>> -> memref<9216xf32, #tpu.memory_space<hbm>>
      %dma_wait3A_150 = arith.constant 0 : i32
      %dma_wait3A_151 = tpu.memref_slice %arg2[%dma_wait3A_150] : memref<14155776xf32, #tpu.memory_space<hbm>> -> memref<9216xf32, #tpu.memory_space<hbm>>
      tpu.wait_dma2 semaphore(%arg12 : memref<!tpu.dma_semaphore, #tpu.memory_space<semaphore_mem>>) src(%dma_wait3A_151 : memref<9216xf32, #tpu.memory_space<hbm>>) dst(%arg6 : memref<9216xf32, #tpu.memory_space<vmem>>)
      %dma_wait3A_152 = arith.constant 0 : i32
      %dma_wait3A_153 = tpu.memref_slice %arg3[%dma_wait3A_152] : memref<14155776xi32, #tpu.memory_space<hbm>> -> memref<9216xi32, #tpu.memory_space<hbm>>
      %dma_wait3A_154 = arith.constant 0 : i32
      %dma_wait3A_155 = tpu.memref_slice %arg3[%dma_wait3A_154] : memref<14155776xi32, #tpu.memory_space<hbm>> -> memref<9216xi32, #tpu.memory_space<hbm>>
      tpu.wait_dma2 semaphore(%arg14 : memref<!tpu.dma_semaphore, #tpu.memory_space<semaphore_mem>>) src(%dma_wait3A_155 : memref<9216xi32, #tpu.memory_space<hbm>>) dst(%arg8 : memref<9216xi32, #tpu.memory_space<vmem>>)
      %ge3A_156 = arith.constant 2 : i32
      %ge3A_157 = arith.cmpi sge, %add3A_140, %ge3A_156 : i32
      %convert_element_type3A_158 = arith.extui %ge3A_157 : i1 to i32
      %cond3A_159 = arith.constant 0 : i32
      %cond3A_160 = arith.cmpi ne, %convert_element_type3A_158, %cond3A_159 : i32
      scf.if %cond3A_160 {
        %dma_wait3A_222 = arith.constant 0 : i32
        %dma_wait3A_223 = tpu.memref_slice %arg4[%dma_wait3A_222] : memref<56623104xf32, #tpu.memory_space<hbm>> -> memref<36864xf32, #tpu.memory_space<hbm>>
        %dma_wait3A_224 = arith.constant 0 : i32
        %dma_wait3A_225 = tpu.memref_slice %arg4[%dma_wait3A_224] : memref<56623104xf32, #tpu.memory_space<hbm>> -> memref<36864xf32, #tpu.memory_space<hbm>>
        tpu.wait_dma2 semaphore(%arg16 : memref<!tpu.dma_semaphore, #tpu.memory_space<semaphore_mem>>) src(%arg10 : memref<36864xf32, #tpu.memory_space<vmem>>) dst(%dma_wait3A_225 : memref<36864xf32, #tpu.memory_space<hbm>>)
      } else {
      }
      %mul3A_161 = arith.constant 48 : i32
      %mul3A_162 = arith.muli %add3A, %mul3A_161 : i32
      %add3A_163 = arith.addi %mul3A_162, %add3A_140 : i32
      %jit3A_164 = arith.constant 4 : i32
      %div3A_165 = arith.divsi %add3A_163, %jit3A_164 : i32
      %sign3A_166 = arith.constant 0 : i32
      %sign3A_167 = arith.cmpi sgt, %add3A_163, %sign3A_166 : i32
      %sign3A_168 = arith.extui %sign3A_167 : i1 to i32
      %sign3A_169 = arith.constant 0 : i32
      %sign3A_170 = arith.cmpi slt, %add3A_163, %sign3A_169 : i32
      %sign3A_171 = arith.extui %sign3A_170 : i1 to i32
      %sign3A_172 = arith.subi %sign3A_168, %sign3A_171 : i32
      %sign3A_173 = arith.constant 0 : i32
      %sign3A_174 = arith.cmpi sgt, %jit3A_164, %sign3A_173 : i32
      %sign3A_175 = arith.extui %sign3A_174 : i1 to i32
      %sign3A_176 = arith.constant 0 : i32
      %sign3A_177 = arith.cmpi slt, %jit3A_164, %sign3A_176 : i32
      %sign3A_178 = arith.extui %sign3A_177 : i1 to i32
      %sign3A_179 = arith.subi %sign3A_175, %sign3A_178 : i32
      %ne3A_180 = arith.cmpi ne, %sign3A_172, %sign3A_179 : i32
      %rem3A_181 = arith.remsi %add3A_163, %jit3A_164 : i32
      %ne3A_182 = arith.constant 0 : i32
      %ne3A_183 = arith.cmpi ne, %rem3A_181, %ne3A_182 : i32
      %and3A_184 = arith.andi %ne3A_180, %ne3A_183 : i1
      %sub3A_185 = arith.constant 1 : i32
      %sub3A_186 = arith.subi %div3A_165, %sub3A_185 : i32
      %select_n3A_187 = arith.select %and3A_184, %sub3A_186, %div3A_165 : i32
      %jit3A_188 = arith.constant 4 : i32
      %eq3A_189 = arith.constant 0 : i32
      %eq3A_190 = arith.cmpi eq, %jit3A_188, %eq3A_189 : i32
      %jit3A_191 = arith.constant 1 : i32
      %select_n3A_192 = arith.select %eq3A_190, %jit3A_191, %jit3A_188 : i32
      %rem3A_193 = arith.remsi %add3A_163, %select_n3A_192 : i32
      %ne3A_194 = arith.constant 0 : i32
      %ne3A_195 = arith.cmpi ne, %rem3A_193, %ne3A_194 : i32
      %lt3A_196 = arith.constant 0 : i32
      %lt3A_197 = arith.cmpi slt, %rem3A_193, %lt3A_196 : i32
      %lt3A_198 = arith.constant 0 : i32
      %lt3A_199 = arith.cmpi slt, %select_n3A_192, %lt3A_198 : i32
      %ne3A_200 = arith.xori %lt3A_197, %lt3A_199 : i1
      %and3A_201 = arith.andi %ne3A_200, %ne3A_195 : i1
      %add3A_202 = arith.addi %rem3A_193, %select_n3A_192 : i32
      %select_n3A_203 = arith.select %and3A_201, %add3A_202, %rem3A_193 : i32
      %mul3A_204 = arith.constant 36864 : i32
      %mul3A_205 = arith.muli %select_n3A_203, %mul3A_204 : i32
      %mul3A_206 = arith.constant 147456 : i32
      %mul3A_207 = arith.muli %select_n3A_187, %mul3A_206 : i32
      %mul3A_208 = arith.constant 36864 : i32
      %mul3A_209 = arith.muli %select_n3A_203, %mul3A_208 : i32
      %add3A_210 = arith.addi %mul3A_207, %mul3A_209 : i32
      %broadcast_in_dim3A_211 = arith.constant 0.000000e+00 : f32
      %broadcast_in_dim3A_212 = vector.broadcast %broadcast_in_dim3A_211 : f32 to vector<16xf32>
      %parallel_loop3A_213 = arith.constant 0 : i32
      %parallel_loop3A_214 = arith.constant 2304 : i32
      %parallel_loop3A_215 = arith.constant 1 : i32
      scf.for %parallel_loop3A_222 = %parallel_loop3A_213 to %parallel_loop3A_214 step %parallel_loop3A_215  : i32 {
        %parallel_loop3A_223 = arith.constant 16 : i32
        %parallel_loop3A_224 = arith.muli %parallel_loop3A_222, %parallel_loop3A_223 : i32
        %parallel_loop3A_225 = arith.index_cast %parallel_loop3A_224 : i32 to index
        %parallel_loop3A_226 = tpu.vector_load %arg10[%parallel_loop3A_225] {strides = array<i32>} : memref<36864xf32, #tpu.memory_space<vmem>>, vector<16xf32>,
        tpu.vector_store %arg10[%parallel_loop3A_225], %broadcast_in_dim3A_212 {strides = array<i32>} : memref<36864xf32, #tpu.memory_space<vmem>>, vector<16xf32>,
      } {sc.loop_unroll_factor = 8 : i64, sc.parallel_access}
      %parallel_loop3A_216 = arith.constant 0 : i32
      %parallel_loop3A_217 = arith.constant 576 : i32
      %parallel_loop3A_218 = arith.constant 1 : i32
      scf.for %parallel_loop3A_222 = %parallel_loop3A_216 to %parallel_loop3A_217 step %parallel_loop3A_218  : i32 {
        %parallel_loop3A_223 = arith.constant 16 : i32
        %parallel_loop3A_224 = arith.muli %parallel_loop3A_222, %parallel_loop3A_223 : i32
        %parallel_loop3A_225 = arith.index_cast %parallel_loop3A_224 : i32 to index
        %parallel_loop3A_226 = tpu.vector_load %arg8[%parallel_loop3A_225] {strides = array<i32>} : memref<9216xi32, #tpu.memory_space<vmem>>, vector<16xi32>,
        %parallel_loop3A_227 = vector.broadcast %mul3A_205 : i32 to vector<16xi32>
        %parallel_loop3A_228 = arith.subi %parallel_loop3A_226, %parallel_loop3A_227 : vector<16xi32>
        %parallel_loop3A_229 = arith.index_cast %parallel_loop3A_224 : i32 to index
        %parallel_loop3A_230 = tpu.vector_load %arg6[%parallel_loop3A_229] {strides = array<i32>} : memref<9216xf32, #tpu.memory_space<vmem>>, vector<16xf32>,
        tpu.vector_store_idx %arg10[%parallel_loop3A_228], %parallel_loop3A_230 : memref<36864xf32, #tpu.memory_space<vmem>>[vector<16xi32>], vector<16xf32>,
      } {sc.loop_unroll_factor = 8 : i64, sc.parallel_access}
      %dma_start3A_219 = tpu.memref_slice %arg4[%add3A_210] : memref<56623104xf32, #tpu.memory_space<hbm>> -> memref<36864xf32, #tpu.memory_space<hbm>>
      %dma_start3A_220 = tpu.memref_slice %arg4[%add3A_210] : memref<56623104xf32, #tpu.memory_space<hbm>> -> memref<36864xf32, #tpu.memory_space<hbm>>
      tpu.enqueue_dma source(%arg10 : memref<36864xf32, #tpu.memory_space<vmem>>) target(%dma_start3A_220 : memref<36864xf32, #tpu.memory_space<hbm>>) target_semaphore(%arg16 : memref<!tpu.dma_semaphore, #tpu.memory_space<semaphore_mem>>)
      %scan3A_221 = arith.constant 0 : i32
      scf.yield %scan3A_221 : i32
    }
    %scan3A_48 = arith.constant 24 : i32
    %dma_wait3A = arith.constant 0 : i32
    %dma_wait3A_49 = tpu.memref_slice %arg4[%dma_wait3A] : memref<56623104xf32, #tpu.memory_space<hbm>> -> memref<36864xf32, #tpu.memory_space<hbm>>
    %dma_wait3A_50 = arith.constant 0 : i32
    %dma_wait3A_51 = tpu.memref_slice %arg4[%dma_wait3A_50] : memref<56623104xf32, #tpu.memory_space<hbm>> -> memref<36864xf32, #tpu.memory_space<hbm>>
    tpu.wait_dma2 semaphore(%arg15 : memref<!tpu.dma_semaphore, #tpu.memory_space<semaphore_mem>>) src(%arg9 : memref<36864xf32, #tpu.memory_space<vmem>>) dst(%dma_wait3A_51 : memref<36864xf32, #tpu.memory_space<hbm>>)
    %dma_wait3A_52 = arith.constant 0 : i32
    %dma_wait3A_53 = tpu.memref_slice %arg4[%dma_wait3A_52] : memref<56623104xf32, #tpu.memory_space<hbm>> -> memref<36864xf32, #tpu.memory_space<hbm>>
    %dma_wait3A_54 = arith.constant 0 : i32
    %dma_wait3A_55 = tpu.memref_slice %arg4[%dma_wait3A_54] : memref<56623104xf32, #tpu.memory_space<hbm>> -> memref<36864xf32, #tpu.memory_space<hbm>>
    tpu.wait_dma2 semaphore(%arg16 : memref<!tpu.dma_semaphore, #tpu.memory_space<semaphore_mem>>) src(%arg10 : memref<36864xf32, #tpu.memory_space<vmem>>) dst(%dma_wait3A_55 : memref<36864xf32, #tpu.memory_space<hbm>>)
    return
  }
}

</mosaic_0001>

<sc_bundles>
// kernel: kernel.3.cloned.1.call-start
scs
__scs_entry_jumppad:
0x0: {  	(pc) =	sbr.rel $0x88, $3  }
0x1: {  	(tag) =	ssettag $0x0;
	lr =	simm.s32 $0x1  }
0x2: {  	[smem:$0x3F9F] =	sst lr;
	_ =	strace $0xD0000000  }
0x3: {  	_ = 	snop  }
0x4: {  	_ = 	snop  }
0x5: {  	_ = 	snop  }
0x6: {  	_ = 	snop  }
0x7: {  	_ = 	snop  }
__scs_overlays_trampoline_lowered:
0x8: {  	[smem:$0x3FAE] =	sst s0  }
0x9: {  	[smem:$0x3FAF] =	sst s1  }
0xa: {  	[smem:$0x3FB0] =	sst s2  }
0xb: {  	[smem:$0x3FB1] =	sst s3  }
0xc: {  	[smem:$0x3FB2] =	sst s4  }
0xd: {  	[smem:$0x3FB3] =	sst s5  }
0xe: {  	[smem:$0x3FB4] =	sst s6  }
0xf: {  	[smem:$0x3FB5] =	sst s7  }
0x10: {  	[smem:$0x3FB6] =	sst s8  }
0x11: {  	[smem:$0x3FB7] =	sst s9;
	s0 =	simm.s32 @!p0 $0x0  }
0x12: {  	s1 =	sld [smem:$0x3F9D];
	s0 =	simm.s32 @p0 $0x1  }
0x13: {  	[smem:$0x3FB8] =	sst s0;
	s0 =	simm.s32 @!p1 $0x0  }
0x14: {  	s2 =	sld [smem:$0x3F9C];
	s0 =	simm.s32 @p1 $0x1  }
0x15: {  	[smem:$0x3FB9] =	sst s0;
	s0 =	simm.s32 @!p2 $0x0  }
0x16: {  	s3 =	sld [smem:$0x3FDB];
	s0 =	simm.s32 @p2 $0x1  }
0x17: {  	s4 =	simm.s32 $0x1BF5;
	[smem:$0x3FBB] =	sst s0  }
0x18: {  	s0 =	sld [smem:$0x3F9E];
	_ =	swait.ge [sflag:s4], $0x0  }
0x19: {  	s7 =	sld [smem:$0x3F9F]  }
0x1a: {  	s8 =	sadd.s32 $0xFFFFE003, lr  }
0x1b: {  	s9 =	sadd.s32 $0xFFFFFEF7, lr;
	s5 =	simm.s32 $0xFFFFFFFF;
	p2 =	slt.u32 s8, $0xFFFFF086  }
0x1c: {  	p1 =	slt.u32 s9, $0xF7A;
	s5 =	simm.s32 @!p2 $0x0  }
0x1d: {  	s5 =	simm.s32 @p1 $0x1;
	p0 =	seq.s32 s7, s2  }
0x1e: {  	s7 =	smul.u32 @!p0 $0xF7A, s2;
	p2 =	seq.s32 @!p0 s5, $0x0  }
0x1f: {  	s9 =	smul.u32 $0xF7A, s1;
	s8 =	simm.s32 @!p0 $0x1BF5;
	p2 =	por !p2, p0  }
0x20: {  	[sflag:s8] =	ssyncset.s32 @!p0 $0xFFFFF086;
	s6 =	sadd.s32 @!p0 s3, s7;
	s7 =	simm.s32 @!p0 $0x108  }
0x21: {  	s3 =	sadd.s32 s3, s9;
	s6 =	sadd.s32 @!p0 $0x88, s6;
	s7 =	simm.s32 @p2 $0x1082  }
0x22: {  	[simem:s7], [sflag:s8] =	dma.local @!p0 [hbm:s6], $0xF7A  }
0x23: {  	s9 =	sor.u32 $0xD0000000, s2;
	s6 =	simm.s32 $0x108;
	_ =	swait.ge @!p0 [sflag:s8], $0x0  }
0x24: {  	s3 =	sadd.s32 $0x88, s3;
	s6 =	simm.s32 @!p1 $0x1082;
	[sflag:s4] =	ssyncset.s32 $0xFFFFF086  }
0x25: {  	[simem:s6], [sflag:s4] =	dma.local [hbm:s3], $0xF7A  }
0x26: {  	[smem:$0x3F9F] =	sst s1;
	(tag) =	ssettag s2;
	_ =	strace s9  }
0x27: {  	s1 =	sld [smem:$0x3FAF]  }
0x28: {  	s2 =	sld [smem:$0x3FB0]  }
0x29: {  	s4 =	sld [smem:$0x3FB2]  }
0x2a: {  	p0 =	seq.s32 s5, $0x0;
	s5 =	sld [smem:$0x3FB3]  }
0x2b: {  	s6 =	sld [smem:$0x3FB4]  }
0x2c: {  	s7 =	sld [smem:$0x3FB5]  }
0x2d: {  	s3 =	simm.s32 $0x108;
	s8 =	sld [smem:$0x3FB6]  }
0x2e: {  	s3 =	simm.s32 @!p0 $0x1082;
	s9 =	sld [smem:$0x3FB7]  }
0x2f: {  	lr =	sadd.s32 s0, s3;
	s0 =	sld [smem:$0x3FAE]  }
0x30: {  	s3 =	sld [smem:$0x3FB1]  }
0x31: {  	[smem:$0x3FBA] =	sst s10  }
0x32: {  	s10 =	sld [smem:$0x3FB8];
	_ =	sdelay $0x3  }
0x33: {  	p0 =	seq.s32 s10, $0x1;
	s10 =	sld [smem:$0x3FBA];
	_ =	sdelay $0x3  }
0x34: {  	[smem:$0x3FBA] =	sst s10  }
0x35: {  	s10 =	sld [smem:$0x3FB9];
	_ =	sdelay $0x3  }
0x36: {  	p1 =	seq.s32 s10, $0x1;
	s10 =	sld [smem:$0x3FBA];
	_ =	sdelay $0x3  }
0x37: {  	[smem:$0x3FBA] =	sst s10  }
0x38: {  	s10 =	sld [smem:$0x3FBB]  }
0x39: {  	_ = 	snop;
	(pc) =	sbr.ind lr, $3  }
0x3a: {  	_ = 	snop  }
0x3b: {  	_ = 	snop  }
0x3c: {  	p2 =	seq.s32 s10, $0x1;
	s10 =	sld [smem:$0x3FBA]  }
0x3d: {  	_ =	shalt  }
0x3e: {  	_ =	shalt  }
0x3f: {  	_ =	shalt  }
0x40: {  	_ =	shalt  }
0x41: {  	_ =	shalt  }
0x42: {  	_ =	shalt  }
0x43: {  	_ =	shalt  }
0x44: {  	_ =	shalt  }
0x45: {  	_ =	shalt  }
0x46: {  	_ =	shalt  }
0x47: {  	_ =	shalt  }
0x48: {  	_ =	shalt  }
0x49: {  	_ =	shalt  }
0x4a: {  	_ =	shalt  }
0x4b: {  	_ =	shalt  }
0x4c: {  	_ =	shalt  }
0x4d: {  	_ =	shalt  }
0x4e: {  	_ =	shalt  }
0x4f: {  	_ =	shalt  }
0x50: {  	_ =	shalt  }
0x51: {  	_ =	shalt  }
0x52: {  	_ =	shalt  }
0x53: {  	_ =	shalt  }
0x54: {  	_ =	shalt  }
0x55: {  	_ =	shalt  }
0x56: {  	_ =	shalt  }
0x57: {  	_ =	shalt  }
0x58: {  	_ =	shalt  }
0x59: {  	_ =	shalt  }
0x5a: {  	_ =	shalt  }
0x5b: {  	_ =	shalt  }
0x5c: {  	_ =	shalt  }
0x5d: {  	_ =	shalt  }
0x5e: {  	_ =	shalt  }
0x5f: {  	_ =	shalt  }
0x60: {  	_ =	shalt  }
0x61: {  	_ =	shalt  }
0x62: {  	_ =	shalt  }
0x63: {  	_ =	shalt  }
0x64: {  	_ =	shalt  }
0x65: {  	_ =	shalt  }
0x66: {  	_ =	shalt  }
0x67: {  	_ =	shalt  }
0x68: {  	_ =	shalt  }
0x69: {  	_ =	shalt  }
0x6a: {  	_ =	shalt  }
0x6b: {  	_ =	shalt  }
0x6c: {  	_ =	shalt  }
0x6d: {  	_ =	shalt  }
0x6e: {  	_ =	shalt  }
0x6f: {  	_ =	shalt  }
0x70: {  	_ =	shalt  }
0x71: {  	_ =	shalt  }
0x72: {  	_ =	shalt  }
0x73: {  	_ =	shalt  }
0x74: {  	_ =	shalt  }
0x75: {  	_ =	shalt  }
0x76: {  	_ =	shalt  }
0x77: {  	_ =	shalt  }
0x78: {  	_ =	shalt  }
0x79: {  	_ =	shalt  }
0x7a: {  	_ =	shalt  }
0x7b: {  	_ =	shalt  }
0x7c: {  	_ =	shalt  }
0x7d: {  	_ =	shalt  }
0x7e: {  	_ =	shalt  }
0x7f: {  	_ =	shalt  }
0x80: {  	_ =	shalt  }
0x81: {  	_ =	shalt  }
0x82: {  	_ =	shalt  }
0x83: {  	_ =	shalt  }
0x84: {  	_ =	shalt  }
0x85: {  	_ =	shalt  }
0x86: {  	_ =	shalt  }
0x87: {  	_ =	shalt  }
.Lfunc_end0:
.L_simem_size_0:
called_computation_lowered:
.L_overlay_start_0:
0x88: {  	s2 =	sld [smem:$0x3FD9]  }
0x89: {  	s3 =	sld [smem:$0x3FFE];
	_ =	sdelay $0x1  }
0x8a: {  	s1 =	srdreg.scid  }
0x8b: {  	s0 =	sand.u32 $0x1, s1  }
0x8c: {  	s17 =	sshll.u32 s0, $0xA;
	s2 =	sadd.s32 s3, s2  }
0x8d: {  	s2 =	sadd.s32 s2, s17  }
0x8e: {  	[smem:$0x3FC6] =	sst s2  }
0x8f: {  	_ = 	snop  }
0x90: {  	s2 =	sld [smem:$0x3FD0];
	(tm) =	ssettm $0x1  }
0x91: {  	s18 =	sld [smem:$0x3FFB];
	_ =	sdelay $0x3  }
0x92: {  	_ =	strace s18  }
0x93: {  	s3 =	sld [smem:$0x3FFC];
	_ =	sdelay $0x3  }
0x94: {  	_ =	strace s3  }
0x95: {  	s3 =	sld [smem:$0x3FFD];
	_ =	sdelay $0x3  }
0x96: {  	_ =	strace s3  }
0x97: {  	_ =	strace $0x8FFFFFFF  }
0x98: {  	s19 =	sld [smem:$0x3FDB];
	_ =	sdelay $0x1  }
0x99: {  	s4 =	simm.s32 $_scs_section_size  }
0x9a: {  	s5 =	simm.s32 $_size__tile_overlayer_lowered;
	s6 =	simm.s32 $_tile_overlayer_lowered  }
0x9b: {  	s22 =	simm.s32 $0x1BFF;
	s21 =	sshll.u32 s6, $0x1;
	s3 =	sadd.s32 s4, s19  }
0x9c: {  	s7 =	simm.s32 $0x0;
	s20 =	sshll.u32 s5, $0x1;
	s5 =	sadd.s32 s21, s3  }
0x9d: {  	[timem:s7], [sflag:s22] =	dma.local [hbm:s5], s20  }
0x9e: {  	_ =	swait.ge [sflag:s22], s20  }
0x9f: {  	s4 =	ssub.s32 $0x0, s20;
	[sflag:s22] =	ssyncset.done $0x0  }
0xa0: {  	[sflag:s22] =	ssyncadd.s32 s4;
	_ =	sdelay $0x1  }
0xa1: {  	s23 =	simm.s32 $0x1B8B  }
0xa2: {  	_ =	swait.ge [sflag:s23], $0x1  }
0xa3: {  	[sflag:s23] =	ssyncset.done $0x0  }
0xa4: {  	s25 =	simm.s32 $0x1B8E;
	s24 =	sld [smem:$0x3FFE];
	[sflag:s23] =	ssyncadd.s32 $0xFFFFFFFF  }
0xa5: {  	s26 =	simm.s32 $execute0_lowered;
	[smem:$0x3FD2] =	sst s25  }
0xa6: {  	s5 =	sshll.u32 s26, $0x1;
	_ =	strace $0x80000046;
	[dreg:$0x1] =	wrdreg $0xFFFFFFFF  }
0xa7: {  	s28 =	simm.s32 $_size_execute0_lowered;
	s3 =	sadd.s32 s3, s5;
	[dreg:$0x0] =	wrdreg $0x0  }
0xa8: {  	s5 =	sshll.u32 s28, $0x1;
	[dreg:$0x2] =	wrdreg s3  }
0xa9: {  	[dreg:$0x3] =	wrdreg s5  }
0xaa: {  	[dreg:$0x4] =	wrdreg $0xC0  }
0xab: {  	_ =	task [dreg:s7], $0x5FFFF  }
0xac: {  	[dreg:$0x1] =	wrdreg $0xFFFFFFFF  }
0xad: {  	[dreg:$0x0] =	wrdreg $0x60  }
0xae: {  	[dreg:$0x2] =	wrdreg s2  }
0xaf: {  	[dreg:$0x3] =	wrdreg s24  }
0xb0: {  	[dreg:$0x4] =	wrdreg $0x9  }
0xb1: {  	_ =	task.clear_ibuf [dreg:s7], $0x5FFFF;
	_ =	strace $0x90000046  }
0xb2: {  	s29 =	simm.s32 $0x9;
	_ =	strace $0x80000048  }
0xb3: {  	_ =	swait.ge [sflag:s29], $0x1  }
0xb4: {  	[sflag:s29] =	ssyncadd.s32 $0xFFFFFFFF  }
0xb5: {  	_ =	strace $0x90000048  }
0xb6: {  	_ =	sfence  }
0xb7: {  	s30 =	sld [smem:$0x0];
	_ =	sdelay $0x2  }
0xb8: {  	s31 =	sshll.u32 s1, $0xD;
	s1 =	sshrl.u32 s1, $0x2  }
0xb9: {  	s3 =	sand.u32 $0x4000, s31;
	s1 =	sadd.s32 s1, s30  }
0xba: {  	s0 =	sor.u32 s3, s0;
	s1 =	sshll.u32 s1, $0x11  }
0xbb: {  	s0 =	sor.u32 s1, s0  }
0xbc: {  	s0 =	sadd.s32 $0x8F2B, s0  }
0xbd: {  	[sflag:s0] =	ssyncadd.remote.s32 $0x1  }
0xbe: {  	_ =	sfence.sel $0xFFFF  }
0xbf: {  	[dreg:$0x0] =	wrdreg $0xFFFFFFFF;
	(pc) =	sbr.abs _section_cstart, $3  }
0xc0: {  	[dreg:$0x1] =	wrdreg $0xFFFFFFFF  }
0xc1: {  	_ =	task.clear_ibuf [dreg:s7], $0x2FFFF;
	_ =	strace $0x9FFFFFFF  }
0xc2: {  	(tm) =	ssettm $0x7FFFFFFF  }
0xc3: {  	_ =	shalt  }
tec
execute0_lowered:
.L_overlay_start_1:
0x0: {  	(tag) =	ssettag $0x1  }
0x1: {  	s1 =	srdreg.scid  }
0x2: {  	s0 =	stileid.u32;
	s2 =	rddreg [dreg:$0x0]  }
0x3: {  	s6 =	rddreg [dreg:$0x1];
	s4 =	simm.s32 $0x0;
	s10 =	simm.s32 $0x4800  }
0x4: {  	s11 =	simm.s32 $0x2400;
	s12 =	simm.s32 $0x6C00;
	s13 =	simm.s32 $0x1  }
0x5: {  	s14 =	simm.s32 $0x3;
	s1 =	sand.u32 $0x1, s1;
	s3 =	sshll.u32 s0, $0x1  }
0x6: {  	s15 =	simm.s32 $0x9000;
	s16 =	simm.s32 $0x2;
	s3 =	sor.u32 s1, s3  }
0x7: {  	s17 =	simm.s32 $0x4;
	s18 =	simm.s32 $0x12000;
	s3 =	smul.u32 $0x30, s3  }
0x8: {  	s19 =	simm.s32 $0x5;
	s20 =	simm.s32 $0x6;
	s1 =	ssub.s32 $0x2, s1  }
0x9: {  	s21 =	simm.s32 $0x0;
	s7 =	sshrl.u32 s1, $0x1;
	s5 =	sshrl.u32 s3, $0x2  }
0xa: {  	[smem:$0x7FF] =	sst s4;
	s1 =	ssub.s32 s1, s7;
	s8 =	smul.u32 $0x1200, s5  }
0xb: {  	_ =	strace $0x80000047;
	s9 =	smax.u32 s1, $0x1;
	s5 =	sadd.s32 $0x400, s6  }
0xc: {  	v0 =	vimm.f32 $0.0e+00;
	s6 =	sadd.s32 $0x1B0400, s6;
	s7 =	sadd.s32 s2, s8;
	s8 =	sadd.s32 s5, s8  }
.LBB2_1:
0xd: {  	[tilespmem:s4], [sflag:$0x1] =	stream.linear.gather [hbm4b:s7+s4], $0x2400, $0x38;
	[tilespmem:$0x1B000] =	vst v63  }
0xe: {  	s22 =	simm.s32 $0x0  }
0xf: {  	[tilespmem:s10], [sflag:$0x3] =	stream.linear.gather [hbm4b:s8+s4], $0x2400, $0x38;
	[tilespmem:$0x1B000] =	vst v63  }
.LBB2_2:
0x10: {  	s25 =	sshll.u32 s22, $0x1  }
0x11: {  	s26 =	sadd.s32 s3, s25  }
0x12: {  	s28 =	sand.u32 $0x2, s25;
	s23 =	sshrl.u32 s26, $0x2  }
0x13: {  	s24 =	sor.u32 $0x1, s28;
	s1 =	smul.u32 $0x9000, s23  }
0x14: {  	s29 =	smul.u32 $0x2400, s24;
	_ =	sdelay $0x1  }
0x15: {  	s1 =	sadd.s32 s29, s1  }
0x16: {  	s1 =	sshrl.u32 s1, $0x3  }
0x17: {  	s29 =	sadd.s32 s2, s1  }
0x18: {  	[tilespmem:s11], [sflag:$0x2] =	stream.linear.gather [hbm4b:s29+s4], $0x2400, $0x38;
	[tilespmem:$0x1B000] =	vst v63  }
0x19: {  	s1 =	sadd.s32 s5, s1  }
0x1a: {  	[tilespmem:s12], [sflag:$0x4] =	stream.linear.gather [hbm4b:s1+s4], $0x2400, $0x38;
	[tilespmem:$0x1B000] =	vst v63  }
0x1b: {  	_ =	swait.ge [sflag:s13], $0x2400  }
0x1c: {  	[sflag:s13] =	ssyncset.done $0x0  }
0x1d: {  	[sflag:s13] =	ssyncadd.s32 $0xFFFFDC00  }
0x1e: {  	_ =	swait.ge [sflag:s14], $0x2400  }
0x1f: {  	p0 =	sne.s32 s22, $0x0;
	[sflag:s14] =	ssyncset.done $0x0  }
0x20: {  	s1 =	simm.s32 @p0 $0x5;
	[sflag:s14] =	ssyncadd.s32 $0xFFFFDC00  }
0x21: {  	_ =	swait.ge @p0 [sflag:s1], $0x9000  }
0x22: {  	[sflag:s1] =	ssyncset.done @p0 $0x0  }
0x23: {  	[sflag:s1] =	ssyncadd.s32 @p0 $0xFFFF7000;
	s1 =	simm.s32 $0x9040  }
0x24: {  	[tilespmem:s1+$0xFFFFFFC0] =	vst v0  }
0x25: {  	[tilespmem:s1+$0x30] =	vst v0  }
0x26: {  	[tilespmem:s1+$0x20] =	vst v0  }
0x27: {  	[tilespmem:s1+$0x10] =	vst v0  }
0x28: {  	[tilespmem:s1+$0x0] =	vst v0  }
0x29: {  	[tilespmem:s1+$0xFFFFFFF0] =	vst v0  }
0x2a: {  	s29 =	simm.s32 $0x0;
	[tilespmem:s1+$0xFFFFFFE0] =	vst v0  }
.LBB2_3:
0x2b: {  	s29 =	sadd.s32 $0x8, s29;
	[tilespmem:s1+$0xFFFFFFD0] =	vst v0;
	s1 =	sadd.s32 $0x80, s1  }
0x2c: {  	[tilespmem:s1+$0xFFFFFFC0] =	vst v0;
	p1 =	slt.u32 s29, $0x8F8  }
0x2d: {  	[tilespmem:s1+$0x30] =	vst v0  }
.Ltmp0:
0x2e: {  	[tilespmem:s1+$0x20] =	vst v0;
	(pc) =	sbr.rel @p1 .LBB2_3-.Ltmp0, $4  }
0x2f: {  	[tilespmem:s1+$0x10] =	vst v0  }
0x30: {  	[tilespmem:s1+$0x0] =	vst v0  }
0x31: {  	[tilespmem:s1+$0xFFFFFFF0] =	vst v0  }
0x32: {  	[tilespmem:s1+$0xFFFFFFE0] =	vst v0  }
0x33: {  	[tilespmem:s1+$0xFFFFFFD0] =	vst v0;
	s1 =	simm.s32 $0x4840  }
0x34: {  	v2 =	vld [tilespmem:s1+$0x30]  }
0x35: {  	v3 =	vld [tilespmem:s1+$0xFFFFFFD0]  }
0x36: {  	v4 =	vld [tilespmem:s1+$0xFFFFFFE0]  }
0x37: {  	v5 =	vld [tilespmem:s1+$0xFFFFFFF0]  }
0x38: {  	s29 =	smul.u32 $0x9000, s28;
	v6 =	vld [tilespmem:s1+$0x0]  }
0x39: {  	v7 =	vld [tilespmem:s1+$0x10]  }
0x3a: {  	v10 =	vld [tilespmem:s1+$0x20];
	v1 =	vmov s29  }
0x3b: {  	v14 =	vld [tilespmem:s1+$0xFFFFFFC0];
	v8 =	vsub.s32 v2, v1  }
0x3c: {  	v9 =	vsub.s32 v3, v1;
	v2 =	vand.u32 $0x7F, v2;
	v11 =	vsub.s32 v4, v1  }
0x3d: {  	s30 =	simm.s32 $0x40;
	v16 =	vand.u32 $0x7F, v3;
	v3 =	vsub.s32 v5, v1;
	v17 =	vand.u32 $0x7F, v4  }
0x3e: {  	v15 =	vld [tilespmem:s30+$0x30];
	v19 =	vand.u32 $0x7F, v5;
	v21 =	vand.u32 $0x7F, v6;
	v8 =	vand.u32 $0xFFFFFF80, v8  }
0x3f: {  	v4 =	vld [tilespmem:s30+$0xFFFFFFD0];
	v23 =	vand.u32 $0x7F, v7;
	v13 =	vand.u32 $0x7F, v10;
	v8 =	vor.u32 v2, v8  }
0x40: {  	v5 =	vld [tilespmem:s30+$0xFFFFFFE0];
	v24 =	vand.u32 $0x7F, v14;
	v9 =	vand.u32 $0xFFFFFF80, v9;
	v11 =	vand.u32 $0xFFFFFF80, v11  }
0x41: {  	v18 =	vand.u32 $0xFFFFFF80, v3;
	v3 =	vsub.s32 v6, v1;
	v6 =	vsub.s32 v10, v1;
	v2 =	vld [tilespmem:s30+$0xFFFFFFC0]  }
0x42: {  	v20 =	vand.u32 $0xFFFFFF80, v3;
	v3 =	vsub.s32 v7, v1;
	v12 =	vand.u32 $0xFFFFFF80, v6;
	v6 =	vld [tilespmem:s30+$0x0]  }
0x43: {  	v7 =	vsub.s32 v14, v1;
	v14 =	vor.u32 v16, v9;
	v22 =	vand.u32 $0xFFFFFF80, v3;
	v3 =	vld [tilespmem:s30+$0xFFFFFFF0]  }
0x44: {  	v10 =	vor.u32 v19, v18;
	[tilespmem:v8+s15+$0x0] =	vst.idx.msk $0xffff, v15;
	v8 =	vand.u32 $0xFFFFFF80, v7;
	v15 =	vor.u32 v17, v11;
	v7 =	vld [tilespmem:s30+$0x10]  }
0x45: {  	s31 =	simm.s32 $0x0;
	s1 =	simm.s32 $0x48C0;
	v9 =	vor.u32 v23, v22;
	v11 =	vor.u32 v21, v20;
	v16 =	vor.u32 v24, v8;
	v8 =	vld [tilespmem:s30+$0x20]  }
.LBB2_5:
0x46: {  	v17 =	vld [tilespmem:s1+$0x30];
	s31 =	sadd.s32 $0x8, s31;
	v12 =	vor.u32 v13, v12  }
0x47: {  	v13 =	vld [tilespmem:s1+$0xFFFFFFD0];
	p1 =	slt.u32 s31, $0x238  }
0x48: {  	v18 =	vld [tilespmem:s1+$0xFFFFFFE0];
	[tilespmem:v14+s15+$0x0] =	vst.idx.msk $0xffff, v4  }
0x49: {  	v14 =	vld [tilespmem:s1+$0xFFFFFFF0];
	[tilespmem:v15+s15+$0x0] =	vst.idx.msk $0xffff, v5  }
0x4a: {  	v15 =	vld [tilespmem:s1+$0x0];
	[tilespmem:v16+s15+$0x0] =	vst.idx.msk $0xffff, v2  }
0x4b: {  	v16 =	vld [tilespmem:s1+$0x10];
	v2 =	vsub.s32 v17, v1;
	[tilespmem:v10+s15+$0x0] =	vst.idx.msk $0xffff, v3  }
0x4c: {  	s30 =	sadd.s32 $0x80, s30;
	v4 =	vand.u32 $0x7F, v17;
	v3 =	vsub.s32 v13, v1;
	v10 =	vld [tilespmem:s1+$0x20];
	v2 =	vand.u32 $0xFFFFFF80, v2;
	[tilespmem:v11+s15+$0x0] =	vst.idx.msk $0xffff, v6  }
0x4d: {  	v6 =	vand.u32 $0xFFFFFF80, v3;
	v3 =	vsub.s32 v18, v1;
	v11 =	vld [tilespmem:s30+$0x30];
	v17 =	vor.u32 v4, v2;
	[tilespmem:v9+s15+$0x0] =	vst.idx.msk $0xffff, v7  }
0x4e: {  	v9 =	vand.u32 $0x7F, v13;
	v7 =	vld [tilespmem:s1+$0xFFFFFFC0];
	v19 =	vand.u32 $0xFFFFFF80, v3;
	v3 =	vsub.s32 v14, v1;
	[tilespmem:v12+s15+$0x0] =	vst.idx.msk $0xffff, v8  }
0x4f: {  	v8 =	vand.u32 $0x7F, v18;
	v2 =	vld [tilespmem:s30+$0xFFFFFFC0];
	v18 =	vand.u32 $0xFFFFFF80, v3;
	v3 =	vsub.s32 v15, v1  }
0x50: {  	v20 =	vand.u32 $0x7F, v14;
	v4 =	vld [tilespmem:s30+$0xFFFFFFD0];
	v21 =	vand.u32 $0xFFFFFF80, v3;
	v3 =	vsub.s32 v16, v1  }
.Ltmp1:
0x51: {  	v22 =	vand.u32 $0x7F, v15;
	v5 =	vld [tilespmem:s30+$0xFFFFFFE0];
	v23 =	vand.u32 $0xFFFFFF80, v3;
	v12 =	vsub.s32 v10, v1;
	(pc) =	sbr.rel @p1 .LBB2_5-.Ltmp1, $4  }
0x52: {  	v24 =	vand.u32 $0x7F, v16;
	v13 =	vand.u32 $0x7F, v10;
	v3 =	vld [tilespmem:s30+$0xFFFFFFF0];
	v12 =	vand.u32 $0xFFFFFF80, v12;
	[tilespmem:v17+s15+$0x0] =	vst.idx.msk $0xffff, v11  }
0x53: {  	v14 =	vor.u32 v9, v6;
	v10 =	vsub.s32 v7, v1;
	v11 =	vand.u32 $0x7F, v7;
	v6 =	vld [tilespmem:s30+$0x0]  }
0x54: {  	v15 =	vor.u32 v8, v19;
	v9 =	vand.u32 $0xFFFFFF80, v10;
	v10 =	vor.u32 v20, v18;
	v7 =	vld [tilespmem:s30+$0x10]  }
0x55: {  	s1 =	sadd.s32 $0x80, s1;
	v16 =	vor.u32 v11, v9;
	v11 =	vor.u32 v22, v21;
	v9 =	vor.u32 v24, v23;
	v8 =	vld [tilespmem:s30+$0x20]  }
0x56: {  	_ = 	snop  }
0x57: {  	p1 =	seq.s32 s26, $0x0;
	p2 =	sne.s32 s28, $0x0  }
0x58: {  	p1 =	por !p1, !p2  }
0x59: {  	s1 =	simm.s32 $0x1;
	p1 =	por !p1, !p1  }
0x5a: {  	[tilespmem:v14+s15+$0x0] =	vst.idx.msk $0xffff, v4;
	s1 =	simm.s32 @!p1 $0x0  }
0x5b: {  	v1 =	vor.u32 v13, v12;
	[tilespmem:v15+s15+$0x0] =	vst.idx.msk $0xffff, v5;
	s1 =	ssub.s32 s23, s1  }
0x5c: {  	[tilespmem:v16+s15+$0x0] =	vst.idx.msk $0xffff, v2;
	p1 =	seq.s32 s22, $0x17;
	s1 =	smul.u32 $0x24000, s1  }
0x5d: {  	[tilespmem:v10+s15+$0x0] =	vst.idx.msk $0xffff, v3;
	s25 =	sadd.s32 @!p1 $0x2, s25  }
0x5e: {  	[tilespmem:v11+s15+$0x0] =	vst.idx.msk $0xffff, v6;
	s26 =	sadd.s32 @!p1 s3, s25;
	s25 =	sand.u32 @!p1 $0x2, s25;
	s1 =	sadd.s32 s29, s1  }
0x5f: {  	[tilespmem:v9+s15+$0x0] =	vst.idx.msk $0xffff, v7;
	s26 =	sshrl.u32 @!p1 s26, $0x2;
	s25 =	smul.u32 @!p1 $0x2400, s25;
	s1 =	sshrl.u32 s1, $0x3  }
0x60: {  	[tilespmem:v1+s15+$0x0] =	vst.idx.msk $0xffff, v8;
	s26 =	smul.u32 @!p1 $0x9000, s26;
	s1 =	sadd.s32 s6, s1  }
0x61: {  	[hbm4b:s1+s4] =	stream.linear.scatter [tilespmem:s15], [sflag:$0x5], $0x9000, $0x38;
	[tilespmem:$0x1B000] =	vst v63  }
0x62: {  	s1 =	sadd.s32 @!p1 s25, s26  }
0x63: {  	s1 =	sshrl.u32 @!p1 s1, $0x3  }
0x64: {  	s26 =	simm.s32 @!p1 $0x0;
	s25 =	sadd.s32 @!p1 s2, s1  }
0x65: {  	[tilespmem:s26], [sflag:$0x1] =	stream.linear.gather @!p1 [hbm4b:s25+s26], $0x2400, $0x38;
	[tilespmem:$0x1B000] =	vst v63  }
0x66: {  	s1 =	sadd.s32 @!p1 s5, s1;
	s25 =	simm.s32 @!p1 $0x4800  }
0x67: {  	[tilespmem:s25], [sflag:$0x3] =	stream.linear.gather @!p1 [hbm4b:s1+s26], $0x2400, $0x38;
	[tilespmem:$0x1B000] =	vst v63  }
0x68: {  	_ =	swait.ge [sflag:s16], $0x2400  }
0x69: {  	[sflag:s16] =	ssyncset.done $0x0  }
0x6a: {  	[sflag:s16] =	ssyncadd.s32 $0xFFFFDC00  }
0x6b: {  	_ =	swait.ge [sflag:s17], $0x2400  }
0x6c: {  	[sflag:s17] =	ssyncset.done $0x0  }
0x6d: {  	s1 =	simm.s32 @p0 $0x6;
	[sflag:s17] =	ssyncadd.s32 $0xFFFFDC00  }
0x6e: {  	_ =	swait.ge @p0 [sflag:s1], $0x9000  }
0x6f: {  	[sflag:s1] =	ssyncset.done @p0 $0x0  }
0x70: {  	[sflag:s1] =	ssyncadd.s32 @p0 $0xFFFF7000;
	s1 =	simm.s32 $0x12040  }
0x71: {  	[tilespmem:s1+$0xFFFFFFC0] =	vst v0  }
0x72: {  	[tilespmem:s1+$0x30] =	vst v0  }
0x73: {  	[tilespmem:s1+$0x20] =	vst v0  }
0x74: {  	[tilespmem:s1+$0x10] =	vst v0  }
0x75: {  	[tilespmem:s1+$0x0] =	vst v0  }
0x76: {  	[tilespmem:s1+$0xFFFFFFF0] =	vst v0  }
0x77: {  	s25 =	simm.s32 $0x0;
	[tilespmem:s1+$0xFFFFFFE0] =	vst v0  }
.LBB2_7:
0x78: {  	s25 =	sadd.s32 $0x8, s25;
	[tilespmem:s1+$0xFFFFFFD0] =	vst v0;
	s1 =	sadd.s32 $0x80, s1  }
0x79: {  	[tilespmem:s1+$0xFFFFFFC0] =	vst v0;
	p0 =	slt.u32 s25, $0x8F8  }
0x7a: {  	[tilespmem:s1+$0x30] =	vst v0  }
.Ltmp2:
0x7b: {  	[tilespmem:s1+$0x20] =	vst v0;
	(pc) =	sbr.rel @p0 .LBB2_7-.Ltmp2, $4  }
0x7c: {  	[tilespmem:s1+$0x10] =	vst v0  }
0x7d: {  	[tilespmem:s1+$0x0] =	vst v0  }
0x7e: {  	[tilespmem:s1+$0xFFFFFFF0] =	vst v0  }
0x7f: {  	[tilespmem:s1+$0xFFFFFFE0] =	vst v0  }
0x80: {  	[tilespmem:s1+$0xFFFFFFD0] =	vst v0;
	s31 =	simm.s32 $0x6C40  }
0x81: {  	v2 =	vld [tilespmem:s31+$0x30]  }
0x82: {  	v3 =	vld [tilespmem:s31+$0xFFFFFFD0]  }
0x83: {  	v4 =	vld [tilespmem:s31+$0xFFFFFFE0]  }
0x84: {  	s24 =	smul.u32 $0x9000, s24;
	v5 =	vld [tilespmem:s31+$0xFFFFFFF0]  }
0x85: {  	v6 =	vld [tilespmem:s31+$0x0]  }
0x86: {  	v11 =	vld [tilespmem:s31+$0x20];
	v1 =	vmov s24  }
0x87: {  	v7 =	vld [tilespmem:s31+$0x10];
	v8 =	vsub.s32 v2, v1  }
0x88: {  	v14 =	vld [tilespmem:s31+$0xFFFFFFC0];
	v9 =	vsub.s32 v3, v1;
	v2 =	vand.u32 $0x7F, v2;
	v10 =	vsub.s32 v4, v1  }
0x89: {  	s25 =	simm.s32 $0x2440;
	v15 =	vand.u32 $0x7F, v3;
	v3 =	vsub.s32 v5, v1;
	v17 =	vand.u32 $0x7F, v4  }
0x8a: {  	v12 =	vld [tilespmem:s25+$0x30];
	v4 =	vsub.s32 v6, v1;
	v19 =	vand.u32 $0x7F, v5;
	v8 =	vand.u32 $0xFFFFFF80, v8  }
0x8b: {  	v5 =	vld [tilespmem:s25+$0xFFFFFFE0];
	v21 =	vand.u32 $0x7F, v6;
	v6 =	vsub.s32 v11, v1;
	v8 =	vor.u32 v2, v8  }
0x8c: {  	v23 =	vand.u32 $0x7F, v7;
	v13 =	vand.u32 $0x7F, v11;
	v18 =	vand.u32 $0xFFFFFF80, v3;
	v3 =	vld [tilespmem:s25+$0xFFFFFFD0]  }
0x8d: {  	v24 =	vand.u32 $0x7F, v14;
	v16 =	vand.u32 $0xFFFFFF80, v10;
	v10 =	vand.u32 $0xFFFFFF80, v6;
	v6 =	vld [tilespmem:s25+$0x0]  }
0x8e: {  	v9 =	vand.u32 $0xFFFFFF80, v9;
	v20 =	vand.u32 $0xFFFFFF80, v4;
	v4 =	vsub.s32 v7, v1;
	v2 =	vld [tilespmem:s25+$0xFFFFFFC0]  }
0x8f: {  	v7 =	vsub.s32 v14, v1;
	v22 =	vand.u32 $0xFFFFFF80, v4;
	v4 =	vld [tilespmem:s25+$0xFFFFFFF0];
	v14 =	vor.u32 v15, v9  }
0x90: {  	v15 =	vor.u32 v17, v16;
	v11 =	vor.u32 v19, v18;
	[tilespmem:v8+s18+$0x0] =	vst.idx.msk $0xffff, v12;
	v8 =	vand.u32 $0xFFFFFF80, v7;
	v7 =	vld [tilespmem:s25+$0x10]  }
0x91: {  	s26 =	simm.s32 $0x0;
	s1 =	simm.s32 $0x6CC0;
	v9 =	vor.u32 v23, v22;
	v12 =	vor.u32 v21, v20;
	v16 =	vor.u32 v24, v8;
	v8 =	vld [tilespmem:s25+$0x20]  }
.LBB2_9:
0x92: {  	v17 =	vld [tilespmem:s1+$0x30];
	s26 =	sadd.s32 $0x8, s26;
	v10 =	vor.u32 v13, v10  }
0x93: {  	v13 =	vld [tilespmem:s1+$0xFFFFFFD0];
	p0 =	slt.u32 s26, $0x238  }
0x94: {  	v18 =	vld [tilespmem:s1+$0xFFFFFFE0];
	[tilespmem:v14+s18+$0x0] =	vst.idx.msk $0xffff, v3  }
0x95: {  	v14 =	vld [tilespmem:s1+$0xFFFFFFF0];
	[tilespmem:v15+s18+$0x0] =	vst.idx.msk $0xffff, v5  }
0x96: {  	v15 =	vld [tilespmem:s1+$0x0];
	[tilespmem:v16+s18+$0x0] =	vst.idx.msk $0xffff, v2  }
0x97: {  	v16 =	vld [tilespmem:s1+$0x10];
	v2 =	vsub.s32 v17, v1;
	[tilespmem:v11+s18+$0x0] =	vst.idx.msk $0xffff, v4  }
0x98: {  	s25 =	sadd.s32 $0x80, s25;
	v4 =	vand.u32 $0x7F, v17;
	v3 =	vsub.s32 v13, v1;
	v11 =	vld [tilespmem:s1+$0x20];
	v2 =	vand.u32 $0xFFFFFF80, v2;
	[tilespmem:v12+s18+$0x0] =	vst.idx.msk $0xffff, v6  }
0x99: {  	v6 =	vand.u32 $0xFFFFFF80, v3;
	v3 =	vsub.s32 v18, v1;
	v12 =	vld [tilespmem:s25+$0x30];
	v17 =	vor.u32 v4, v2;
	[tilespmem:v9+s18+$0x0] =	vst.idx.msk $0xffff, v7  }
0x9a: {  	v9 =	vand.u32 $0x7F, v13;
	v7 =	vld [tilespmem:s1+$0xFFFFFFC0];
	v19 =	vand.u32 $0xFFFFFF80, v3;
	v3 =	vsub.s32 v14, v1;
	[tilespmem:v10+s18+$0x0] =	vst.idx.msk $0xffff, v8  }
0x9b: {  	v8 =	vand.u32 $0x7F, v18;
	v2 =	vld [tilespmem:s25+$0xFFFFFFC0];
	v18 =	vand.u32 $0xFFFFFF80, v3;
	v4 =	vsub.s32 v15, v1  }
0x9c: {  	v20 =	vand.u32 $0x7F, v14;
	v3 =	vld [tilespmem:s25+$0xFFFFFFD0];
	v21 =	vand.u32 $0xFFFFFF80, v4;
	v4 =	vsub.s32 v16, v1  }
.Ltmp3:
0x9d: {  	v22 =	vand.u32 $0x7F, v15;
	v5 =	vld [tilespmem:s25+$0xFFFFFFE0];
	v23 =	vand.u32 $0xFFFFFF80, v4;
	v10 =	vsub.s32 v11, v1;
	(pc) =	sbr.rel @p0 .LBB2_9-.Ltmp3, $4  }
0x9e: {  	v24 =	vand.u32 $0x7F, v16;
	v13 =	vand.u32 $0x7F, v11;
	v4 =	vld [tilespmem:s25+$0xFFFFFFF0];
	v10 =	vand.u32 $0xFFFFFF80, v10;
	[tilespmem:v17+s18+$0x0] =	vst.idx.msk $0xffff, v12  }
0x9f: {  	v14 =	vor.u32 v9, v6;
	v11 =	vsub.s32 v7, v1;
	v12 =	vand.u32 $0x7F, v7;
	v6 =	vld [tilespmem:s25+$0x0]  }
0xa0: {  	v15 =	vor.u32 v8, v19;
	v9 =	vand.u32 $0xFFFFFF80, v11;
	v11 =	vor.u32 v20, v18;
	v7 =	vld [tilespmem:s25+$0x10]  }
0xa1: {  	s1 =	sadd.s32 $0x80, s1;
	v16 =	vor.u32 v12, v9;
	v12 =	vor.u32 v22, v21;
	v9 =	vor.u32 v24, v23;
	v8 =	vld [tilespmem:s25+$0x20]  }
0xa2: {  	_ =	sdelay $0x3  }
0xa3: {  	[tilespmem:v14+s18+$0x0] =	vst.idx.msk $0xffff, v3  }
0xa4: {  	v1 =	vor.u32 v13, v10;
	[tilespmem:v15+s18+$0x0] =	vst.idx.msk $0xffff, v5;
	s22 =	sadd.s32 $0x1, s22  }
0xa5: {  	[tilespmem:v16+s18+$0x0] =	vst.idx.msk $0xffff, v2;
	s1 =	smul.u32 $0x24000, s23;
	p0 =	sne.s32 s22, $0x18  }
.Ltmp4:
0xa6: {  	[tilespmem:v11+s18+$0x0] =	vst.idx.msk $0xffff, v4;
	(pc) =	sbr.rel @p0 .LBB2_2-.Ltmp4, $4  }
0xa7: {  	[tilespmem:v12+s18+$0x0] =	vst.idx.msk $0xffff, v6;
	s1 =	sadd.s32 s24, s1  }
0xa8: {  	[tilespmem:v9+s18+$0x0] =	vst.idx.msk $0xffff, v7;
	s1 =	sshrl.u32 s1, $0x3  }
0xa9: {  	s1 =	sadd.s32 s6, s1;
	[tilespmem:v1+s18+$0x0] =	vst.idx.msk $0xffff, v8  }
0xaa: {  	[hbm4b:s1+s4] =	stream.linear.scatter [tilespmem:s18], [sflag:$0x6], $0x9000, $0x38;
	[tilespmem:$0x1B000] =	vst v63  }
0xab: {  	s21 =	sadd.s32 $0x1, s21  }
0xac: {  	_ =	swait.ge [sflag:s19], $0x9000;
	p0 =	sne.s32 s21, s9  }
.Ltmp5:
0xad: {  	[sflag:s19] =	ssyncset.done $0x0;
	(pc) =	sbr.rel @p0 .LBB2_1-.Ltmp5, $4  }
0xae: {  	[sflag:s19] =	ssyncadd.s32 $0xFFFF7000  }
0xaf: {  	_ =	swait.ge [sflag:s20], $0x9000  }
0xb0: {  	[sflag:s20] =	ssyncset.done $0x0  }
0xb1: {  	[sflag:s20] =	ssyncadd.s32 $0xFFFF7000  }
0xb2: {  	_ =	sfence.sel $0x180000  }
0xb3: {  	[bflag:$0x0] =	sbarrier.arrive $0xFFFF  }
0xb4: {  	_ =	strace $0x90000047  }
0xb5: {  	[bflag:$0x2] =	sbarrier.arrive $0xFFFF  }
0xb6: {  	p0 =	sne.s32 s0, $0x0;
	s0 =	rddreg [dreg:$0x2]  }
0xb7: {  	s0 =	sadd.s32 @!p0 $0x100000, s0  }
0xb8: {  	[sflag:s0] =	ssyncadd.tile.s32 @!p0 $0x1;
	_ =	shalt  }
.Lfunc_end2:
_tile_overlayer_lowered:
.L_overlay_start_2:
0xb9: {  	(tag) =	ssettag $0x2  }
0xba: {  	s0 =	rddreg [dreg:$0x0];
	s2 =	stileid.u32  }
0xbb: {  	s1 =	rddreg [dreg:$0x1];
	p0 =	sne.s32 s2, $0x0  }
0xbc: {  	s3 =	rddreg [dreg:$0x2];
	[bflag:$0x3] =	sbarrier.arrive $0xFFFF;
	s2 =	simm.s32 @!p0 $0x1C07  }
0xbd: {  	[timem:s3], [sflag:s2] =	dma.local @!p0 [hbm:s0], s1  }
0xbe: {  	s0 =	simm.s32 @!p0 $0x7  }
0xbf: {  	_ =	swait.ge @!p0 [sflag:s0], s1  }
0xc0: {  	s1 =	ssub.s32 @!p0 $0x0, s1;
	[sflag:s0] =	ssyncset.done @!p0 $0x0  }
0xc1: {  	[sflag:s0] =	ssyncadd.s32 @!p0 s1  }
0xc2: {  	[bflag:$0x3] =	sbarrier.arrive $0xFFFF  }
0xc3: {  	_ =	shalt  }

</sc_bundles>
